<compile_context>
chip_gen: v7x
topology: tpu7x:2x2x1
jax: 0.10.2.dev20260603
libtpu: 0.0.44.dev20260713+nightly
codegen_flags: <defaults>
</compile_context>

<pallas_src>
import functools

import jax
import jax.numpy as jnp
from jax import lax
from jax.experimental import pallas as pl
from jax.experimental.pallas import tpu as pltpu
from jax.experimental.pallas import tpu_sc as plsc

D_MODEL = 128
N_BATCH = 4096
SEQ = 50
NUM_CORES = 2
NUM_SUBCORES = 16
NW = NUM_CORES * NUM_SUBCORES
B_PER_W = N_BATCH // NW
NBUF = 4
N_ROUNDS = B_PER_W // NBUF
AHEAD = 3


@functools.partial(
    pl.kernel,
    mesh=plsc.VectorSubcoreMesh(core_axis_name="c", subcore_axis_name="s"),
    out_type=jax.ShapeDtypeStruct((N_BATCH, SEQ, D_MODEL), jnp.float32),
    compiler_params=pltpu.CompilerParams(use_tc_tiling_on_sc=True),
    scratch_types=(
        [pltpu.VMEM((B_PER_W, SEQ), jnp.int32)]
        + [pltpu.VMEM((SEQ, D_MODEL), jnp.float32) for _ in range(NBUF)]
        + [pltpu.SemaphoreType.DMA for _ in range(2 * NBUF)]
    ),
)
def _embed_gather(table_hbm, idx_hbm, out_hbm, idx_v, *rest):
    bufs = rest[:NBUF]
    gsem = rest[NBUF:2 * NBUF]
    wsem = rest[2 * NBUF:]
    cid = lax.axis_index("c")
    sid = lax.axis_index("s")
    wid = sid * NUM_CORES + cid
    base_b = wid * B_PER_W

    def gather(c, b):
        pltpu.make_async_copy(table_hbm.at[idx_v.at[c]], bufs[b], gsem[b]).start()

    def wait_gather(b):
        pltpu.make_async_copy(table_hbm.at[idx_v.at[0]], bufs[b], gsem[b]).wait()

    def write(c, b):
        pltpu.make_async_copy(bufs[b], out_hbm.at[base_b + c], wsem[b]).start()

    def wait_write(b):
        pltpu.make_async_copy(bufs[b], out_hbm.at[base_b], wsem[b]).wait()

    pltpu.sync_copy(idx_hbm.at[pl.ds(pl.multiple_of(base_b, 8), B_PER_W)], idx_v)

    for b in range(NBUF):
        gather(b, b)

    def round_body(r, carry):
        for j in range(NBUF):
            c = r * NBUF + j
            wait_gather(j)
            write(c, j)
            bp = (j + AHEAD) % NBUF
            c_next = c + AHEAD

            @pl.when(jnp.logical_and(c_next >= NBUF, c_next < B_PER_W))
            def _():
                wait_write(bp)
                gather(c_next, bp)

        return carry

    lax.fori_loop(0, N_ROUNDS, round_body, 0)

    for b in range(NBUF):
        wait_write(b)


def kernel(x, weight):
    return _embed_gather(weight, x.astype(jnp.int32))

# --- scband reference (transcript-rebuilt; emitter-appended) ---
"""Pipeline reference for scband-token-embedding-70652212019576 (READ-ONLY COPY).

The authoritative reference and input builder live on the scoring server;
editing this copy changes nothing except your own understanding.
"""

import jax, jax.numpy as jnp
import numpy as np

VOCAB = 100000
D_MODEL = 128
PAD_IDX = 1


def setup_inputs(seed: int = 0) -> dict:
    key = jax.random.key(seed)
    k1, k2 = jax.random.split(key)
    x = jax.random.randint(k1, (4096, 50), 0, VOCAB, dtype=jnp.int64 if jax.config.jax_enable_x64 else jnp.int32)
    weight = jax.random.normal(k2, (VOCAB, D_MODEL), dtype=jnp.float32)
    # padding_idx row is zero-initialized in nn.Embedding
    weight = weight.at[PAD_IDX].set(0.0)
    return {"x": x, "weight": weight}


def reference(x, weight):
    # nn.Embedding forward: gather rows of the table; padding_idx row is zero.
    w = weight.at[PAD_IDX].set(0.0)
    return jnp.take(w, x, axis=0)

if __name__ == "__main__":
    import jax
    _d = setup_inputs()
    print(jax.jit(kernel)(*tuple(_d.values())))

</pallas_src>

<mosaic_0001>
#map = affine_map<(d0, d1) -> (0, 0)>
#map1 = affine_map<(d0, d1) -> (0, 0, 0)>
module attributes {stable_mosaic.version = 14 : i64} {
  func.func @_embed_gather(%arg0: i32, %arg1: i32, %arg2: memref<100000x128xf32, #tpu.memory_space<hbm>>, %arg3: memref<4096x50xi32, #tpu.memory_space<hbm>>, %arg4: memref<4096x50x128xf32, #tpu.memory_space<hbm>>, %arg5: memref<128x50xi32, #tpu.memory_space<vmem>>, %arg6: memref<50x128xf32, #tpu.memory_space<vmem>>, %arg7: memref<50x128xf32, #tpu.memory_space<vmem>>, %arg8: memref<50x128xf32, #tpu.memory_space<vmem>>, %arg9: memref<50x128xf32, #tpu.memory_space<vmem>>, %arg10: memref<!tpu.dma_semaphore, #tpu.memory_space<semaphore_mem>>, %arg11: memref<!tpu.dma_semaphore, #tpu.memory_space<semaphore_mem>>, %arg12: memref<!tpu.dma_semaphore, #tpu.memory_space<semaphore_mem>>, %arg13: memref<!tpu.dma_semaphore, #tpu.memory_space<semaphore_mem>>, %arg14: memref<!tpu.dma_semaphore, #tpu.memory_space<semaphore_mem>>, %arg15: memref<!tpu.dma_semaphore, #tpu.memory_space<semaphore_mem>>, %arg16: memref<!tpu.dma_semaphore, #tpu.memory_space<semaphore_mem>>, %arg17: memref<!tpu.dma_semaphore, #tpu.memory_space<semaphore_mem>>) attributes {dimension_semantics = [#tpu.dimension_semantics<core_parallel>, #tpu.dimension_semantics<subcore_parallel>], iteration_bounds = array<i64: 2, 16>, scalar_prefetch = 0 : i64, scratch_operands = 13 : i64, tpu.core_type = #tpu.core_type<sc_vector_subcore>, window_params = [{transform_indices = #map}, {transform_indices = #map}, {transform_indices = #map1}]} {
    %mul3A = arith.constant 2 : i32
    %mul3A_0 = arith.muli %arg1, %mul3A : i32
    %add3A = arith.addi %mul3A_0, %arg0 : i32
    %mul3A_1 = arith.constant 128 : i32
    %mul3A_2 = arith.muli %add3A, %mul3A_1 : i32
    %multiple_of3A = tpu.assume_multiple %mul3A_2, 8 : i32
    "tpu.region"() ({
      %run_scoped3A = tpu.sem_alloc : memref<!tpu.dma_semaphore, #tpu.memory_space<semaphore_mem>>
      %dma_start3A_66 = arith.constant 0 : i32
      %dma_start3A_67 = tpu.memref_slice %arg3[%multiple_of3A, %dma_start3A_66] : memref<4096x50xi32, #tpu.memory_space<hbm>> -> memref<128x50xi32, #tpu.memory_space<hbm>>
      %dma_start3A_68 = arith.constant 0 : i32
      %dma_start3A_69 = tpu.memref_slice %arg3[%multiple_of3A, %dma_start3A_68] : memref<4096x50xi32, #tpu.memory_space<hbm>> -> memref<128x50xi32, #tpu.memory_space<hbm>>
      tpu.enqueue_dma source(%dma_start3A_69 : memref<128x50xi32, #tpu.memory_space<hbm>>) target(%arg5 : memref<128x50xi32, #tpu.memory_space<vmem>>) target_semaphore(%run_scoped3A : memref<!tpu.dma_semaphore, #tpu.memory_space<semaphore_mem>>)
      %dma_wait3A_70 = arith.constant 0 : i32
      %dma_wait3A_71 = tpu.memref_slice %arg3[%multiple_of3A, %dma_wait3A_70] : memref<4096x50xi32, #tpu.memory_space<hbm>> -> memref<128x50xi32, #tpu.memory_space<hbm>>
      %dma_wait3A_72 = arith.constant 0 : i32
      %dma_wait3A_73 = tpu.memref_slice %arg3[%multiple_of3A, %dma_wait3A_72] : memref<4096x50xi32, #tpu.memory_space<hbm>> -> memref<128x50xi32, #tpu.memory_space<hbm>>
      tpu.wait_dma2 semaphore(%run_scoped3A : memref<!tpu.dma_semaphore, #tpu.memory_space<semaphore_mem>>) src(%dma_wait3A_73 : memref<128x50xi32, #tpu.memory_space<hbm>>) dst(%arg5 : memref<128x50xi32, #tpu.memory_space<vmem>>)
      tpu.yield
    }) : () -> ()
    %dma_start3A = arith.constant 0 : i32
    %dma_start3A_3 = arith.constant 0 : i32
    %dma_start3A_4 = tpu.memref_slice %arg5[%dma_start3A, %dma_start3A_3] : memref<128x50xi32, #tpu.memory_space<vmem>> -> memref<1x50xi32, #tpu.memory_space<vmem>>
    %dma_start3A_5 = tpu.memref_squeeze %dma_start3A_4 : memref<1x50xi32, #tpu.memory_space<vmem>> -> memref<50xi32, #tpu.memory_space<vmem>>
    %dma_start3A_6 = arith.constant 0 : i32
    %dma_start3A_7 = arith.constant 0 : i32
    %dma_start3A_8 = tpu.memref_slice %arg2[%dma_start3A_6, %dma_start3A_7] : memref<100000x128xf32, #tpu.memory_space<hbm>> -> memref<100000x128xf32, #tpu.memory_space<hbm>>
    tpu.enqueue_indirect_dma source(%dma_start3A_8 : memref<100000x128xf32, #tpu.memory_space<hbm>>) target(%arg6 : memref<50x128xf32, #tpu.memory_space<vmem>>) offsets(%dma_start3A_5 : memref<50xi32, #tpu.memory_space<vmem>>) semaphore(%arg10 : memref<!tpu.dma_semaphore, #tpu.memory_space<semaphore_mem>>)
    %dma_start3A_9 = arith.constant 1 : i32
    %dma_start3A_10 = arith.constant 0 : i32
    %dma_start3A_11 = tpu.memref_slice %arg5[%dma_start3A_9, %dma_start3A_10] : memref<128x50xi32, #tpu.memory_space<vmem>> -> memref<1x50xi32, #tpu.memory_space<vmem>>
    %dma_start3A_12 = tpu.memref_squeeze %dma_start3A_11 : memref<1x50xi32, #tpu.memory_space<vmem>> -> memref<50xi32, #tpu.memory_space<vmem>>
    %dma_start3A_13 = arith.constant 0 : i32
    %dma_start3A_14 = arith.constant 0 : i32
    %dma_start3A_15 = tpu.memref_slice %arg2[%dma_start3A_13, %dma_start3A_14] : memref<100000x128xf32, #tpu.memory_space<hbm>> -> memref<100000x128xf32, #tpu.memory_space<hbm>>
    tpu.enqueue_indirect_dma source(%dma_start3A_15 : memref<100000x128xf32, #tpu.memory_space<hbm>>) target(%arg7 : memref<50x128xf32, #tpu.memory_space<vmem>>) offsets(%dma_start3A_12 : memref<50xi32, #tpu.memory_space<vmem>>) semaphore(%arg11 : memref<!tpu.dma_semaphore, #tpu.memory_space<semaphore_mem>>)
    %dma_start3A_16 = arith.constant 2 : i32
    %dma_start3A_17 = arith.constant 0 : i32
    %dma_start3A_18 = tpu.memref_slice %arg5[%dma_start3A_16, %dma_start3A_17] : memref<128x50xi32, #tpu.memory_space<vmem>> -> memref<1x50xi32, #tpu.memory_space<vmem>>
    %dma_start3A_19 = tpu.memref_squeeze %dma_start3A_18 : memref<1x50xi32, #tpu.memory_space<vmem>> -> memref<50xi32, #tpu.memory_space<vmem>>
    %dma_start3A_20 = arith.constant 0 : i32
    %dma_start3A_21 = arith.constant 0 : i32
    %dma_start3A_22 = tpu.memref_slice %arg2[%dma_start3A_20, %dma_start3A_21] : memref<100000x128xf32, #tpu.memory_space<hbm>> -> memref<100000x128xf32, #tpu.memory_space<hbm>>
    tpu.enqueue_indirect_dma source(%dma_start3A_22 : memref<100000x128xf32, #tpu.memory_space<hbm>>) target(%arg8 : memref<50x128xf32, #tpu.memory_space<vmem>>) offsets(%dma_start3A_19 : memref<50xi32, #tpu.memory_space<vmem>>) semaphore(%arg12 : memref<!tpu.dma_semaphore, #tpu.memory_space<semaphore_mem>>)
    %dma_start3A_23 = arith.constant 3 : i32
    %dma_start3A_24 = arith.constant 0 : i32
    %dma_start3A_25 = tpu.memref_slice %arg5[%dma_start3A_23, %dma_start3A_24] : memref<128x50xi32, #tpu.memory_space<vmem>> -> memref<1x50xi32, #tpu.memory_space<vmem>>
    %dma_start3A_26 = tpu.memref_squeeze %dma_start3A_25 : memref<1x50xi32, #tpu.memory_space<vmem>> -> memref<50xi32, #tpu.memory_space<vmem>>
    %dma_start3A_27 = arith.constant 0 : i32
    %dma_start3A_28 = arith.constant 0 : i32
    %dma_start3A_29 = tpu.memref_slice %arg2[%dma_start3A_27, %dma_start3A_28] : memref<100000x128xf32, #tpu.memory_space<hbm>> -> memref<100000x128xf32, #tpu.memory_space<hbm>>
    tpu.enqueue_indirect_dma source(%dma_start3A_29 : memref<100000x128xf32, #tpu.memory_space<hbm>>) target(%arg9 : memref<50x128xf32, #tpu.memory_space<vmem>>) offsets(%dma_start3A_26 : memref<50xi32, #tpu.memory_space<vmem>>) semaphore(%arg13 : memref<!tpu.dma_semaphore, #tpu.memory_space<semaphore_mem>>)
    %scan3A = arith.constant 0 : i32
    %scan3A_30 = arith.constant 0 : i32
    %scan3A_31 = arith.constant 32 : i32
    %scan3A_32 = arith.addi %scan3A_30, %scan3A_31 : i32
    %scan3A_33 = arith.constant 1 : i32
    scf.for %scan3A_66 = %scan3A_30 to %scan3A_32 step %scan3A_33  : i32 {
      %mul3A_67 = arith.constant 4 : i32
      %mul3A_68 = arith.muli %scan3A_66, %mul3A_67 : i32
      %add3A_69 = arith.constant 0 : i32
      %add3A_70 = arith.addi %mul3A_68, %add3A_69 : i32
      %dma_wait3A_71 = arith.constant 0 : i32
      %dma_wait3A_72 = arith.constant 0 : i32
      %dma_wait3A_73 = tpu.memref_slice %arg5[%dma_wait3A_71, %dma_wait3A_72] : memref<128x50xi32, #tpu.memory_space<vmem>> -> memref<1x50xi32, #tpu.memory_space<vmem>>
      %dma_wait3A_74 = tpu.memref_squeeze %dma_wait3A_73 : memref<1x50xi32, #tpu.memory_space<vmem>> -> memref<50xi32, #tpu.memory_space<vmem>>
      %dma_wait3A_75 = arith.constant 0 : i32
      %dma_wait3A_76 = arith.constant 0 : i32
      %dma_wait3A_77 = tpu.memref_slice %arg2[%dma_wait3A_75, %dma_wait3A_76] : memref<100000x128xf32, #tpu.memory_space<hbm>> -> memref<100000x128xf32, #tpu.memory_space<hbm>>
      tpu.wait_indirect_dma semaphore(%arg10 : memref<!tpu.dma_semaphore, #tpu.memory_space<semaphore_mem>>) src(%dma_wait3A_77 : memref<100000x128xf32, #tpu.memory_space<hbm>>) dst(%arg6 : memref<50x128xf32, #tpu.memory_space<vmem>>)
      %add3A_78 = arith.addi %mul3A_2, %add3A_70 : i32
      %dma_start3A_79 = arith.constant 0 : i32
      %dma_start3A_80 = arith.constant 0 : i32
      %dma_start3A_81 = tpu.memref_slice %arg4[%add3A_78, %dma_start3A_79, %dma_start3A_80] : memref<4096x50x128xf32, #tpu.memory_space<hbm>> -> memref<1x50x128xf32, #tpu.memory_space<hbm>>
      %dma_start3A_82 = tpu.memref_squeeze %dma_start3A_81 : memref<1x50x128xf32, #tpu.memory_space<hbm>> -> memref<50x128xf32, #tpu.memory_space<hbm>>
      %dma_start3A_83 = arith.constant 0 : i32
      %dma_start3A_84 = arith.constant 0 : i32
      %dma_start3A_85 = tpu.memref_slice %arg4[%add3A_78, %dma_start3A_83, %dma_start3A_84] : memref<4096x50x128xf32, #tpu.memory_space<hbm>> -> memref<1x50x128xf32, #tpu.memory_space<hbm>>
      %dma_start3A_86 = tpu.memref_squeeze %dma_start3A_85 : memref<1x50x128xf32, #tpu.memory_space<hbm>> -> memref<50x128xf32, #tpu.memory_space<hbm>>
      tpu.enqueue_dma source(%arg6 : memref<50x128xf32, #tpu.memory_space<vmem>>) target(%dma_start3A_86 : memref<50x128xf32, #tpu.memory_space<hbm>>) target_semaphore(%arg14 : memref<!tpu.dma_semaphore, #tpu.memory_space<semaphore_mem>>)
      %add3A_87 = arith.constant 3 : i32
      %add3A_88 = arith.addi %add3A_70, %add3A_87 : i32
      %ge3A = arith.constant 4 : i32
      %ge3A_89 = arith.cmpi sge, %add3A_88, %ge3A : i32
      %lt3A = arith.constant 128 : i32
      %lt3A_90 = arith.cmpi slt, %add3A_88, %lt3A : i32
      %and3A = arith.andi %ge3A_89, %lt3A_90 : i1
      %convert_element_type3A = arith.extui %and3A : i1 to i32
      %cond3A = arith.constant 0 : i32
      %cond3A_91 = arith.cmpi ne, %convert_element_type3A, %cond3A : i32
      scf.if %cond3A_91 {
        %dma_wait3A_182 = arith.constant 0 : i32
        %dma_wait3A_183 = arith.constant 0 : i32
        %dma_wait3A_184 = tpu.memref_slice %arg4[%mul3A_2, %dma_wait3A_182, %dma_wait3A_183] : memref<4096x50x128xf32, #tpu.memory_space<hbm>> -> memref<1x50x128xf32, #tpu.memory_space<hbm>>
        %dma_wait3A_185 = tpu.memref_squeeze %dma_wait3A_184 : memref<1x50x128xf32, #tpu.memory_space<hbm>> -> memref<50x128xf32, #tpu.memory_space<hbm>>
        %dma_wait3A_186 = arith.constant 0 : i32
        %dma_wait3A_187 = arith.constant 0 : i32
        %dma_wait3A_188 = tpu.memref_slice %arg4[%mul3A_2, %dma_wait3A_186, %dma_wait3A_187] : memref<4096x50x128xf32, #tpu.memory_space<hbm>> -> memref<1x50x128xf32, #tpu.memory_space<hbm>>
        %dma_wait3A_189 = tpu.memref_squeeze %dma_wait3A_188 : memref<1x50x128xf32, #tpu.memory_space<hbm>> -> memref<50x128xf32, #tpu.memory_space<hbm>>
        tpu.wait_dma2 semaphore(%arg17 : memref<!tpu.dma_semaphore, #tpu.memory_space<semaphore_mem>>) src(%arg9 : memref<50x128xf32, #tpu.memory_space<vmem>>) dst(%dma_wait3A_189 : memref<50x128xf32, #tpu.memory_space<hbm>>)
        %dma_start3A_190 = arith.constant 0 : i32
        %dma_start3A_191 = tpu.memref_slice %arg5[%add3A_88, %dma_start3A_190] : memref<128x50xi32, #tpu.memory_space<vmem>> -> memref<1x50xi32, #tpu.memory_space<vmem>>
        %dma_start3A_192 = tpu.memref_squeeze %dma_start3A_191 : memref<1x50xi32, #tpu.memory_space<vmem>> -> memref<50xi32, #tpu.memory_space<vmem>>
        %dma_start3A_193 = arith.constant 0 : i32
        %dma_start3A_194 = arith.constant 0 : i32
        %dma_start3A_195 = tpu.memref_slice %arg2[%dma_start3A_193, %dma_start3A_194] : memref<100000x128xf32, #tpu.memory_space<hbm>> -> memref<100000x128xf32, #tpu.memory_space<hbm>>
        tpu.enqueue_indirect_dma source(%dma_start3A_195 : memref<100000x128xf32, #tpu.memory_space<hbm>>) target(%arg9 : memref<50x128xf32, #tpu.memory_space<vmem>>) offsets(%dma_start3A_192 : memref<50xi32, #tpu.memory_space<vmem>>) semaphore(%arg13 : memref<!tpu.dma_semaphore, #tpu.memory_space<semaphore_mem>>)
      } else {
      }
      %mul3A_92 = arith.constant 4 : i32
      %mul3A_93 = arith.muli %scan3A_66, %mul3A_92 : i32
      %add3A_94 = arith.constant 1 : i32
      %add3A_95 = arith.addi %mul3A_93, %add3A_94 : i32
      %dma_wait3A_96 = arith.constant 0 : i32
      %dma_wait3A_97 = arith.constant 0 : i32
      %dma_wait3A_98 = tpu.memref_slice %arg5[%dma_wait3A_96, %dma_wait3A_97] : memref<128x50xi32, #tpu.memory_space<vmem>> -> memref<1x50xi32, #tpu.memory_space<vmem>>
      %dma_wait3A_99 = tpu.memref_squeeze %dma_wait3A_98 : memref<1x50xi32, #tpu.memory_space<vmem>> -> memref<50xi32, #tpu.memory_space<vmem>>
      %dma_wait3A_100 = arith.constant 0 : i32
      %dma_wait3A_101 = arith.constant 0 : i32
      %dma_wait3A_102 = tpu.memref_slice %arg2[%dma_wait3A_100, %dma_wait3A_101] : memref<100000x128xf32, #tpu.memory_space<hbm>> -> memref<100000x128xf32, #tpu.memory_space<hbm>>
      tpu.wait_indirect_dma semaphore(%arg11 : memref<!tpu.dma_semaphore, #tpu.memory_space<semaphore_mem>>) src(%dma_wait3A_102 : memref<100000x128xf32, #tpu.memory_space<hbm>>) dst(%arg7 : memref<50x128xf32, #tpu.memory_space<vmem>>)
      %add3A_103 = arith.addi %mul3A_2, %add3A_95 : i32
      %dma_start3A_104 = arith.constant 0 : i32
      %dma_start3A_105 = arith.constant 0 : i32
      %dma_start3A_106 = tpu.memref_slice %arg4[%add3A_103, %dma_start3A_104, %dma_start3A_105] : memref<4096x50x128xf32, #tpu.memory_space<hbm>> -> memref<1x50x128xf32, #tpu.memory_space<hbm>>
      %dma_start3A_107 = tpu.memref_squeeze %dma_start3A_106 : memref<1x50x128xf32, #tpu.memory_space<hbm>> -> memref<50x128xf32, #tpu.memory_space<hbm>>
      %dma_start3A_108 = arith.constant 0 : i32
      %dma_start3A_109 = arith.constant 0 : i32
      %dma_start3A_110 = tpu.memref_slice %arg4[%add3A_103, %dma_start3A_108, %dma_start3A_109] : memref<4096x50x128xf32, #tpu.memory_space<hbm>> -> memref<1x50x128xf32, #tpu.memory_space<hbm>>
      %dma_start3A_111 = tpu.memref_squeeze %dma_start3A_110 : memref<1x50x128xf32, #tpu.memory_space<hbm>> -> memref<50x128xf32, #tpu.memory_space<hbm>>
      tpu.enqueue_dma source(%arg7 : memref<50x128xf32, #tpu.memory_space<vmem>>) target(%dma_start3A_111 : memref<50x128xf32, #tpu.memory_space<hbm>>) target_semaphore(%arg15 : memref<!tpu.dma_semaphore, #tpu.memory_space<semaphore_mem>>)
      %add3A_112 = arith.constant 3 : i32
      %add3A_113 = arith.addi %add3A_95, %add3A_112 : i32
      %ge3A_114 = arith.constant 4 : i32
      %ge3A_115 = arith.cmpi sge, %add3A_113, %ge3A_114 : i32
      %lt3A_116 = arith.constant 128 : i32
      %lt3A_117 = arith.cmpi slt, %add3A_113, %lt3A_116 : i32
      %and3A_118 = arith.andi %ge3A_115, %lt3A_117 : i1
      %convert_element_type3A_119 = arith.extui %and3A_118 : i1 to i32
      %cond3A_120 = arith.constant 0 : i32
      %cond3A_121 = arith.cmpi ne, %convert_element_type3A_119, %cond3A_120 : i32
      scf.if %cond3A_121 {
        %dma_wait3A_182 = arith.constant 0 : i32
        %dma_wait3A_183 = arith.constant 0 : i32
        %dma_wait3A_184 = tpu.memref_slice %arg4[%mul3A_2, %dma_wait3A_182, %dma_wait3A_183] : memref<4096x50x128xf32, #tpu.memory_space<hbm>> -> memref<1x50x128xf32, #tpu.memory_space<hbm>>
        %dma_wait3A_185 = tpu.memref_squeeze %dma_wait3A_184 : memref<1x50x128xf32, #tpu.memory_space<hbm>> -> memref<50x128xf32, #tpu.memory_space<hbm>>
        %dma_wait3A_186 = arith.constant 0 : i32
        %dma_wait3A_187 = arith.constant 0 : i32
        %dma_wait3A_188 = tpu.memref_slice %arg4[%mul3A_2, %dma_wait3A_186, %dma_wait3A_187] : memref<4096x50x128xf32, #tpu.memory_space<hbm>> -> memref<1x50x128xf32, #tpu.memory_space<hbm>>
        %dma_wait3A_189 = tpu.memref_squeeze %dma_wait3A_188 : memref<1x50x128xf32, #tpu.memory_space<hbm>> -> memref<50x128xf32, #tpu.memory_space<hbm>>
        tpu.wait_dma2 semaphore(%arg14 : memref<!tpu.dma_semaphore, #tpu.memory_space<semaphore_mem>>) src(%arg6 : memref<50x128xf32, #tpu.memory_space<vmem>>) dst(%dma_wait3A_189 : memref<50x128xf32, #tpu.memory_space<hbm>>)
        %dma_start3A_190 = arith.constant 0 : i32
        %dma_start3A_191 = tpu.memref_slice %arg5[%add3A_113, %dma_start3A_190] : memref<128x50xi32, #tpu.memory_space<vmem>> -> memref<1x50xi32, #tpu.memory_space<vmem>>
        %dma_start3A_192 = tpu.memref_squeeze %dma_start3A_191 : memref<1x50xi32, #tpu.memory_space<vmem>> -> memref<50xi32, #tpu.memory_space<vmem>>
        %dma_start3A_193 = arith.constant 0 : i32
        %dma_start3A_194 = arith.constant 0 : i32
        %dma_start3A_195 = tpu.memref_slice %arg2[%dma_start3A_193, %dma_start3A_194] : memref<100000x128xf32, #tpu.memory_space<hbm>> -> memref<100000x128xf32, #tpu.memory_space<hbm>>
        tpu.enqueue_indirect_dma source(%dma_start3A_195 : memref<100000x128xf32, #tpu.memory_space<hbm>>) target(%arg6 : memref<50x128xf32, #tpu.memory_space<vmem>>) offsets(%dma_start3A_192 : memref<50xi32, #tpu.memory_space<vmem>>) semaphore(%arg10 : memref<!tpu.dma_semaphore, #tpu.memory_space<semaphore_mem>>)
      } else {
      }
      %mul3A_122 = arith.constant 4 : i32
      %mul3A_123 = arith.muli %scan3A_66, %mul3A_122 : i32
      %add3A_124 = arith.constant 2 : i32
      %add3A_125 = arith.addi %mul3A_123, %add3A_124 : i32
      %dma_wait3A_126 = arith.constant 0 : i32
      %dma_wait3A_127 = arith.constant 0 : i32
      %dma_wait3A_128 = tpu.memref_slice %arg5[%dma_wait3A_126, %dma_wait3A_127] : memref<128x50xi32, #tpu.memory_space<vmem>> -> memref<1x50xi32, #tpu.memory_space<vmem>>
      %dma_wait3A_129 = tpu.memref_squeeze %dma_wait3A_128 : memref<1x50xi32, #tpu.memory_space<vmem>> -> memref<50xi32, #tpu.memory_space<vmem>>
      %dma_wait3A_130 = arith.constant 0 : i32
      %dma_wait3A_131 = arith.constant 0 : i32
      %dma_wait3A_132 = tpu.memref_slice %arg2[%dma_wait3A_130, %dma_wait3A_131] : memref<100000x128xf32, #tpu.memory_space<hbm>> -> memref<100000x128xf32, #tpu.memory_space<hbm>>
      tpu.wait_indirect_dma semaphore(%arg12 : memref<!tpu.dma_semaphore, #tpu.memory_space<semaphore_mem>>) src(%dma_wait3A_132 : memref<100000x128xf32, #tpu.memory_space<hbm>>) dst(%arg8 : memref<50x128xf32, #tpu.memory_space<vmem>>)
      %add3A_133 = arith.addi %mul3A_2, %add3A_125 : i32
      %dma_start3A_134 = arith.constant 0 : i32
      %dma_start3A_135 = arith.constant 0 : i32
      %dma_start3A_136 = tpu.memref_slice %arg4[%add3A_133, %dma_start3A_134, %dma_start3A_135] : memref<4096x50x128xf32, #tpu.memory_space<hbm>> -> memref<1x50x128xf32, #tpu.memory_space<hbm>>
      %dma_start3A_137 = tpu.memref_squeeze %dma_start3A_136 : memref<1x50x128xf32, #tpu.memory_space<hbm>> -> memref<50x128xf32, #tpu.memory_space<hbm>>
      %dma_start3A_138 = arith.constant 0 : i32
      %dma_start3A_139 = arith.constant 0 : i32
      %dma_start3A_140 = tpu.memref_slice %arg4[%add3A_133, %dma_start3A_138, %dma_start3A_139] : memref<4096x50x128xf32, #tpu.memory_space<hbm>> -> memref<1x50x128xf32, #tpu.memory_space<hbm>>
      %dma_start3A_141 = tpu.memref_squeeze %dma_start3A_140 : memref<1x50x128xf32, #tpu.memory_space<hbm>> -> memref<50x128xf32, #tpu.memory_space<hbm>>
      tpu.enqueue_dma source(%arg8 : memref<50x128xf32, #tpu.memory_space<vmem>>) target(%dma_start3A_141 : memref<50x128xf32, #tpu.memory_space<hbm>>) target_semaphore(%arg16 : memref<!tpu.dma_semaphore, #tpu.memory_space<semaphore_mem>>)
      %add3A_142 = arith.constant 3 : i32
      %add3A_143 = arith.addi %add3A_125, %add3A_142 : i32
      %ge3A_144 = arith.constant 4 : i32
      %ge3A_145 = arith.cmpi sge, %add3A_143, %ge3A_144 : i32
      %lt3A_146 = arith.constant 128 : i32
      %lt3A_147 = arith.cmpi slt, %add3A_143, %lt3A_146 : i32
      %and3A_148 = arith.andi %ge3A_145, %lt3A_147 : i1
      %convert_element_type3A_149 = arith.extui %and3A_148 : i1 to i32
      %cond3A_150 = arith.constant 0 : i32
      %cond3A_151 = arith.cmpi ne, %convert_element_type3A_149, %cond3A_150 : i32
      scf.if %cond3A_151 {
        %dma_wait3A_182 = arith.constant 0 : i32
        %dma_wait3A_183 = arith.constant 0 : i32
        %dma_wait3A_184 = tpu.memref_slice %arg4[%mul3A_2, %dma_wait3A_182, %dma_wait3A_183] : memref<4096x50x128xf32, #tpu.memory_space<hbm>> -> memref<1x50x128xf32, #tpu.memory_space<hbm>>
        %dma_wait3A_185 = tpu.memref_squeeze %dma_wait3A_184 : memref<1x50x128xf32, #tpu.memory_space<hbm>> -> memref<50x128xf32, #tpu.memory_space<hbm>>
        %dma_wait3A_186 = arith.constant 0 : i32
        %dma_wait3A_187 = arith.constant 0 : i32
        %dma_wait3A_188 = tpu.memref_slice %arg4[%mul3A_2, %dma_wait3A_186, %dma_wait3A_187] : memref<4096x50x128xf32, #tpu.memory_space<hbm>> -> memref<1x50x128xf32, #tpu.memory_space<hbm>>
        %dma_wait3A_189 = tpu.memref_squeeze %dma_wait3A_188 : memref<1x50x128xf32, #tpu.memory_space<hbm>> -> memref<50x128xf32, #tpu.memory_space<hbm>>
        tpu.wait_dma2 semaphore(%arg15 : memref<!tpu.dma_semaphore, #tpu.memory_space<semaphore_mem>>) src(%arg7 : memref<50x128xf32, #tpu.memory_space<vmem>>) dst(%dma_wait3A_189 : memref<50x128xf32, #tpu.memory_space<hbm>>)
        %dma_start3A_190 = arith.constant 0 : i32
        %dma_start3A_191 = tpu.memref_slice %arg5[%add3A_143, %dma_start3A_190] : memref<128x50xi32, #tpu.memory_space<vmem>> -> memref<1x50xi32, #tpu.memory_space<vmem>>
        %dma_start3A_192 = tpu.memref_squeeze %dma_start3A_191 : memref<1x50xi32, #tpu.memory_space<vmem>> -> memref<50xi32, #tpu.memory_space<vmem>>
        %dma_start3A_193 = arith.constant 0 : i32
        %dma_start3A_194 = arith.constant 0 : i32
        %dma_start3A_195 = tpu.memref_slice %arg2[%dma_start3A_193, %dma_start3A_194] : memref<100000x128xf32, #tpu.memory_space<hbm>> -> memref<100000x128xf32, #tpu.memory_space<hbm>>
        tpu.enqueue_indirect_dma source(%dma_start3A_195 : memref<100000x128xf32, #tpu.memory_space<hbm>>) target(%arg7 : memref<50x128xf32, #tpu.memory_space<vmem>>) offsets(%dma_start3A_192 : memref<50xi32, #tpu.memory_space<vmem>>) semaphore(%arg11 : memref<!tpu.dma_semaphore, #tpu.memory_space<semaphore_mem>>)
      } else {
      }
      %mul3A_152 = arith.constant 4 : i32
      %mul3A_153 = arith.muli %scan3A_66, %mul3A_152 : i32
      %add3A_154 = arith.constant 3 : i32
      %add3A_155 = arith.addi %mul3A_153, %add3A_154 : i32
      %dma_wait3A_156 = arith.constant 0 : i32
      %dma_wait3A_157 = arith.constant 0 : i32
      %dma_wait3A_158 = tpu.memref_slice %arg5[%dma_wait3A_156, %dma_wait3A_157] : memref<128x50xi32, #tpu.memory_space<vmem>> -> memref<1x50xi32, #tpu.memory_space<vmem>>
      %dma_wait3A_159 = tpu.memref_squeeze %dma_wait3A_158 : memref<1x50xi32, #tpu.memory_space<vmem>> -> memref<50xi32, #tpu.memory_space<vmem>>
      %dma_wait3A_160 = arith.constant 0 : i32
      %dma_wait3A_161 = arith.constant 0 : i32
      %dma_wait3A_162 = tpu.memref_slice %arg2[%dma_wait3A_160, %dma_wait3A_161] : memref<100000x128xf32, #tpu.memory_space<hbm>> -> memref<100000x128xf32, #tpu.memory_space<hbm>>
      tpu.wait_indirect_dma semaphore(%arg13 : memref<!tpu.dma_semaphore, #tpu.memory_space<semaphore_mem>>) src(%dma_wait3A_162 : memref<100000x128xf32, #tpu.memory_space<hbm>>) dst(%arg9 : memref<50x128xf32, #tpu.memory_space<vmem>>)
      %add3A_163 = arith.addi %mul3A_2, %add3A_155 : i32
      %dma_start3A_164 = arith.constant 0 : i32
      %dma_start3A_165 = arith.constant 0 : i32
      %dma_start3A_166 = tpu.memref_slice %arg4[%add3A_163, %dma_start3A_164, %dma_start3A_165] : memref<4096x50x128xf32, #tpu.memory_space<hbm>> -> memref<1x50x128xf32, #tpu.memory_space<hbm>>
      %dma_start3A_167 = tpu.memref_squeeze %dma_start3A_166 : memref<1x50x128xf32, #tpu.memory_space<hbm>> -> memref<50x128xf32, #tpu.memory_space<hbm>>
      %dma_start3A_168 = arith.constant 0 : i32
      %dma_start3A_169 = arith.constant 0 : i32
      %dma_start3A_170 = tpu.memref_slice %arg4[%add3A_163, %dma_start3A_168, %dma_start3A_169] : memref<4096x50x128xf32, #tpu.memory_space<hbm>> -> memref<1x50x128xf32, #tpu.memory_space<hbm>>
      %dma_start3A_171 = tpu.memref_squeeze %dma_start3A_170 : memref<1x50x128xf32, #tpu.memory_space<hbm>> -> memref<50x128xf32, #tpu.memory_space<hbm>>
      tpu.enqueue_dma source(%arg9 : memref<50x128xf32, #tpu.memory_space<vmem>>) target(%dma_start3A_171 : memref<50x128xf32, #tpu.memory_space<hbm>>) target_semaphore(%arg17 : memref<!tpu.dma_semaphore, #tpu.memory_space<semaphore_mem>>)
      %add3A_172 = arith.constant 3 : i32
      %add3A_173 = arith.addi %add3A_155, %add3A_172 : i32
      %ge3A_174 = arith.constant 4 : i32
      %ge3A_175 = arith.cmpi sge, %add3A_173, %ge3A_174 : i32
      %lt3A_176 = arith.constant 128 : i32
      %lt3A_177 = arith.cmpi slt, %add3A_173, %lt3A_176 : i32
      %and3A_178 = arith.andi %ge3A_175, %lt3A_177 : i1
      %convert_element_type3A_179 = arith.extui %and3A_178 : i1 to i32
      %cond3A_180 = arith.constant 0 : i32
      %cond3A_181 = arith.cmpi ne, %convert_element_type3A_179, %cond3A_180 : i32
      scf.if %cond3A_181 {
        %dma_wait3A_182 = arith.constant 0 : i32
        %dma_wait3A_183 = arith.constant 0 : i32
        %dma_wait3A_184 = tpu.memref_slice %arg4[%mul3A_2, %dma_wait3A_182, %dma_wait3A_183] : memref<4096x50x128xf32, #tpu.memory_space<hbm>> -> memref<1x50x128xf32, #tpu.memory_space<hbm>>
        %dma_wait3A_185 = tpu.memref_squeeze %dma_wait3A_184 : memref<1x50x128xf32, #tpu.memory_space<hbm>> -> memref<50x128xf32, #tpu.memory_space<hbm>>
        %dma_wait3A_186 = arith.constant 0 : i32
        %dma_wait3A_187 = arith.constant 0 : i32
        %dma_wait3A_188 = tpu.memref_slice %arg4[%mul3A_2, %dma_wait3A_186, %dma_wait3A_187] : memref<4096x50x128xf32, #tpu.memory_space<hbm>> -> memref<1x50x128xf32, #tpu.memory_space<hbm>>
        %dma_wait3A_189 = tpu.memref_squeeze %dma_wait3A_188 : memref<1x50x128xf32, #tpu.memory_space<hbm>> -> memref<50x128xf32, #tpu.memory_space<hbm>>
        tpu.wait_dma2 semaphore(%arg16 : memref<!tpu.dma_semaphore, #tpu.memory_space<semaphore_mem>>) src(%arg8 : memref<50x128xf32, #tpu.memory_space<vmem>>) dst(%dma_wait3A_189 : memref<50x128xf32, #tpu.memory_space<hbm>>)
        %dma_start3A_190 = arith.constant 0 : i32
        %dma_start3A_191 = tpu.memref_slice %arg5[%add3A_173, %dma_start3A_190] : memref<128x50xi32, #tpu.memory_space<vmem>> -> memref<1x50xi32, #tpu.memory_space<vmem>>
        %dma_start3A_192 = tpu.memref_squeeze %dma_start3A_191 : memref<1x50xi32, #tpu.memory_space<vmem>> -> memref<50xi32, #tpu.memory_space<vmem>>
        %dma_start3A_193 = arith.constant 0 : i32
        %dma_start3A_194 = arith.constant 0 : i32
        %dma_start3A_195 = tpu.memref_slice %arg2[%dma_start3A_193, %dma_start3A_194] : memref<100000x128xf32, #tpu.memory_space<hbm>> -> memref<100000x128xf32, #tpu.memory_space<hbm>>
        tpu.enqueue_indirect_dma source(%dma_start3A_195 : memref<100000x128xf32, #tpu.memory_space<hbm>>) target(%arg8 : memref<50x128xf32, #tpu.memory_space<vmem>>) offsets(%dma_start3A_192 : memref<50xi32, #tpu.memory_space<vmem>>) semaphore(%arg12 : memref<!tpu.dma_semaphore, #tpu.memory_space<semaphore_mem>>)
      } else {
      }
    }
    %scan3A_34 = arith.constant 32 : i32
    %dma_wait3A = arith.constant 0 : i32
    %dma_wait3A_35 = arith.constant 0 : i32
    %dma_wait3A_36 = tpu.memref_slice %arg4[%mul3A_2, %dma_wait3A, %dma_wait3A_35] : memref<4096x50x128xf32, #tpu.memory_space<hbm>> -> memref<1x50x128xf32, #tpu.memory_space<hbm>>
    %dma_wait3A_37 = tpu.memref_squeeze %dma_wait3A_36 : memref<1x50x128xf32, #tpu.memory_space<hbm>> -> memref<50x128xf32, #tpu.memory_space<hbm>>
    %dma_wait3A_38 = arith.constant 0 : i32
    %dma_wait3A_39 = arith.constant 0 : i32
    %dma_wait3A_40 = tpu.memref_slice %arg4[%mul3A_2, %dma_wait3A_38, %dma_wait3A_39] : memref<4096x50x128xf32, #tpu.memory_space<hbm>> -> memref<1x50x128xf32, #tpu.memory_space<hbm>>
    %dma_wait3A_41 = tpu.memref_squeeze %dma_wait3A_40 : memref<1x50x128xf32, #tpu.memory_space<hbm>> -> memref<50x128xf32, #tpu.memory_space<hbm>>
    tpu.wait_dma2 semaphore(%arg14 : memref<!tpu.dma_semaphore, #tpu.memory_space<semaphore_mem>>) src(%arg6 : memref<50x128xf32, #tpu.memory_space<vmem>>) dst(%dma_wait3A_41 : memref<50x128xf32, #tpu.memory_space<hbm>>)
    %dma_wait3A_42 = arith.constant 0 : i32
    %dma_wait3A_43 = arith.constant 0 : i32
    %dma_wait3A_44 = tpu.memref_slice %arg4[%mul3A_2, %dma_wait3A_42, %dma_wait3A_43] : memref<4096x50x128xf32, #tpu.memory_space<hbm>> -> memref<1x50x128xf32, #tpu.memory_space<hbm>>
    %dma_wait3A_45 = tpu.memref_squeeze %dma_wait3A_44 : memref<1x50x128xf32, #tpu.memory_space<hbm>> -> memref<50x128xf32, #tpu.memory_space<hbm>>
    %dma_wait3A_46 = arith.constant 0 : i32
    %dma_wait3A_47 = arith.constant 0 : i32
    %dma_wait3A_48 = tpu.memref_slice %arg4[%mul3A_2, %dma_wait3A_46, %dma_wait3A_47] : memref<4096x50x128xf32, #tpu.memory_space<hbm>> -> memref<1x50x128xf32, #tpu.memory_space<hbm>>
    %dma_wait3A_49 = tpu.memref_squeeze %dma_wait3A_48 : memref<1x50x128xf32, #tpu.memory_space<hbm>> -> memref<50x128xf32, #tpu.memory_space<hbm>>
    tpu.wait_dma2 semaphore(%arg15 : memref<!tpu.dma_semaphore, #tpu.memory_space<semaphore_mem>>) src(%arg7 : memref<50x128xf32, #tpu.memory_space<vmem>>) dst(%dma_wait3A_49 : memref<50x128xf32, #tpu.memory_space<hbm>>)
    %dma_wait3A_50 = arith.constant 0 : i32
    %dma_wait3A_51 = arith.constant 0 : i32
    %dma_wait3A_52 = tpu.memref_slice %arg4[%mul3A_2, %dma_wait3A_50, %dma_wait3A_51] : memref<4096x50x128xf32, #tpu.memory_space<hbm>> -> memref<1x50x128xf32, #tpu.memory_space<hbm>>
    %dma_wait3A_53 = tpu.memref_squeeze %dma_wait3A_52 : memref<1x50x128xf32, #tpu.memory_space<hbm>> -> memref<50x128xf32, #tpu.memory_space<hbm>>
    %dma_wait3A_54 = arith.constant 0 : i32
    %dma_wait3A_55 = arith.constant 0 : i32
    %dma_wait3A_56 = tpu.memref_slice %arg4[%mul3A_2, %dma_wait3A_54, %dma_wait3A_55] : memref<4096x50x128xf32, #tpu.memory_space<hbm>> -> memref<1x50x128xf32, #tpu.memory_space<hbm>>
    %dma_wait3A_57 = tpu.memref_squeeze %dma_wait3A_56 : memref<1x50x128xf32, #tpu.memory_space<hbm>> -> memref<50x128xf32, #tpu.memory_space<hbm>>
    tpu.wait_dma2 semaphore(%arg16 : memref<!tpu.dma_semaphore, #tpu.memory_space<semaphore_mem>>) src(%arg8 : memref<50x128xf32, #tpu.memory_space<vmem>>) dst(%dma_wait3A_57 : memref<50x128xf32, #tpu.memory_space<hbm>>)
    %dma_wait3A_58 = arith.constant 0 : i32
    %dma_wait3A_59 = arith.constant 0 : i32
    %dma_wait3A_60 = tpu.memref_slice %arg4[%mul3A_2, %dma_wait3A_58, %dma_wait3A_59] : memref<4096x50x128xf32, #tpu.memory_space<hbm>> -> memref<1x50x128xf32, #tpu.memory_space<hbm>>
    %dma_wait3A_61 = tpu.memref_squeeze %dma_wait3A_60 : memref<1x50x128xf32, #tpu.memory_space<hbm>> -> memref<50x128xf32, #tpu.memory_space<hbm>>
    %dma_wait3A_62 = arith.constant 0 : i32
    %dma_wait3A_63 = arith.constant 0 : i32
    %dma_wait3A_64 = tpu.memref_slice %arg4[%mul3A_2, %dma_wait3A_62, %dma_wait3A_63] : memref<4096x50x128xf32, #tpu.memory_space<hbm>> -> memref<1x50x128xf32, #tpu.memory_space<hbm>>
    %dma_wait3A_65 = tpu.memref_squeeze %dma_wait3A_64 : memref<1x50x128xf32, #tpu.memory_space<hbm>> -> memref<50x128xf32, #tpu.memory_space<hbm>>
    tpu.wait_dma2 semaphore(%arg17 : memref<!tpu.dma_semaphore, #tpu.memory_space<semaphore_mem>>) src(%arg9 : memref<50x128xf32, #tpu.memory_space<vmem>>) dst(%dma_wait3A_65 : memref<50x128xf32, #tpu.memory_space<hbm>>)
    return
  }
}

</mosaic_0001>

<sc_bundles>
// kernel: kernel.3.cloned.1.call-start
scs
__scs_entry_jumppad:
0x0: {  	(pc) =	sbr.rel $0x88, $3  }
0x1: {  	(tag) =	ssettag $0x0;
	lr =	simm.s32 $0x1  }
0x2: {  	[smem:$0x3F9F] =	sst lr;
	_ =	strace $0xD0000000  }
0x3: {  	_ = 	snop  }
0x4: {  	_ = 	snop  }
0x5: {  	_ = 	snop  }
0x6: {  	_ = 	snop  }
0x7: {  	_ = 	snop  }
__scs_overlays_trampoline_lowered:
0x8: {  	[smem:$0x3FAE] =	sst s0  }
0x9: {  	[smem:$0x3FAF] =	sst s1  }
0xa: {  	[smem:$0x3FB0] =	sst s2  }
0xb: {  	[smem:$0x3FB1] =	sst s3  }
0xc: {  	[smem:$0x3FB2] =	sst s4  }
0xd: {  	[smem:$0x3FB3] =	sst s5  }
0xe: {  	[smem:$0x3FB4] =	sst s6  }
0xf: {  	[smem:$0x3FB5] =	sst s7  }
0x10: {  	[smem:$0x3FB6] =	sst s8  }
0x11: {  	[smem:$0x3FB7] =	sst s9;
	s0 =	simm.s32 @!p0 $0x0  }
0x12: {  	s1 =	sld [smem:$0x3F9D];
	s0 =	simm.s32 @p0 $0x1  }
0x13: {  	[smem:$0x3FB8] =	sst s0;
	s0 =	simm.s32 @!p1 $0x0  }
0x14: {  	s2 =	sld [smem:$0x3F9C];
	s0 =	simm.s32 @p1 $0x1  }
0x15: {  	[smem:$0x3FB9] =	sst s0;
	s0 =	simm.s32 @!p2 $0x0  }
0x16: {  	s3 =	sld [smem:$0x3FDB];
	s0 =	simm.s32 @p2 $0x1  }
0x17: {  	s4 =	simm.s32 $0x1BF5;
	[smem:$0x3FBB] =	sst s0  }
0x18: {  	s0 =	sld [smem:$0x3F9E];
	_ =	swait.ge [sflag:s4], $0x0  }
0x19: {  	s7 =	sld [smem:$0x3F9F]  }
0x1a: {  	s8 =	sadd.s32 $0xFFFFE003, lr  }
0x1b: {  	s9 =	sadd.s32 $0xFFFFFEF7, lr;
	s5 =	simm.s32 $0xFFFFFFFF;
	p2 =	slt.u32 s8, $0xFFFFF086  }
0x1c: {  	p1 =	slt.u32 s9, $0xF7A;
	s5 =	simm.s32 @!p2 $0x0  }
0x1d: {  	s5 =	simm.s32 @p1 $0x1;
	p0 =	seq.s32 s7, s2  }
0x1e: {  	s7 =	smul.u32 @!p0 $0xF7A, s2;
	p2 =	seq.s32 @!p0 s5, $0x0  }
0x1f: {  	s9 =	smul.u32 $0xF7A, s1;
	s8 =	simm.s32 @!p0 $0x1BF5;
	p2 =	por !p2, p0  }
0x20: {  	[sflag:s8] =	ssyncset.s32 @!p0 $0xFFFFF086;
	s6 =	sadd.s32 @!p0 s3, s7;
	s7 =	simm.s32 @!p0 $0x108  }
0x21: {  	s3 =	sadd.s32 s3, s9;
	s6 =	sadd.s32 @!p0 $0x88, s6;
	s7 =	simm.s32 @p2 $0x1082  }
0x22: {  	[simem:s7], [sflag:s8] =	dma.local @!p0 [hbm:s6], $0xF7A  }
0x23: {  	s9 =	sor.u32 $0xD0000000, s2;
	s6 =	simm.s32 $0x108;
	_ =	swait.ge @!p0 [sflag:s8], $0x0  }
0x24: {  	s3 =	sadd.s32 $0x88, s3;
	s6 =	simm.s32 @!p1 $0x1082;
	[sflag:s4] =	ssyncset.s32 $0xFFFFF086  }
0x25: {  	[simem:s6], [sflag:s4] =	dma.local [hbm:s3], $0xF7A  }
0x26: {  	[smem:$0x3F9F] =	sst s1;
	(tag) =	ssettag s2;
	_ =	strace s9  }
0x27: {  	s1 =	sld [smem:$0x3FAF]  }
0x28: {  	s2 =	sld [smem:$0x3FB0]  }
0x29: {  	s4 =	sld [smem:$0x3FB2]  }
0x2a: {  	p0 =	seq.s32 s5, $0x0;
	s5 =	sld [smem:$0x3FB3]  }
0x2b: {  	s6 =	sld [smem:$0x3FB4]  }
0x2c: {  	s7 =	sld [smem:$0x3FB5]  }
0x2d: {  	s3 =	simm.s32 $0x108;
	s8 =	sld [smem:$0x3FB6]  }
0x2e: {  	s3 =	simm.s32 @!p0 $0x1082;
	s9 =	sld [smem:$0x3FB7]  }
0x2f: {  	lr =	sadd.s32 s0, s3;
	s0 =	sld [smem:$0x3FAE]  }
0x30: {  	s3 =	sld [smem:$0x3FB1]  }
0x31: {  	[smem:$0x3FBA] =	sst s10  }
0x32: {  	s10 =	sld [smem:$0x3FB8];
	_ =	sdelay $0x3  }
0x33: {  	p0 =	seq.s32 s10, $0x1;
	s10 =	sld [smem:$0x3FBA];
	_ =	sdelay $0x3  }
0x34: {  	[smem:$0x3FBA] =	sst s10  }
0x35: {  	s10 =	sld [smem:$0x3FB9];
	_ =	sdelay $0x3  }
0x36: {  	p1 =	seq.s32 s10, $0x1;
	s10 =	sld [smem:$0x3FBA];
	_ =	sdelay $0x3  }
0x37: {  	[smem:$0x3FBA] =	sst s10  }
0x38: {  	s10 =	sld [smem:$0x3FBB]  }
0x39: {  	_ = 	snop;
	(pc) =	sbr.ind lr, $3  }
0x3a: {  	_ = 	snop  }
0x3b: {  	_ = 	snop  }
0x3c: {  	p2 =	seq.s32 s10, $0x1;
	s10 =	sld [smem:$0x3FBA]  }
0x3d: {  	_ =	shalt  }
0x3e: {  	_ =	shalt  }
0x3f: {  	_ =	shalt  }
0x40: {  	_ =	shalt  }
0x41: {  	_ =	shalt  }
0x42: {  	_ =	shalt  }
0x43: {  	_ =	shalt  }
0x44: {  	_ =	shalt  }
0x45: {  	_ =	shalt  }
0x46: {  	_ =	shalt  }
0x47: {  	_ =	shalt  }
0x48: {  	_ =	shalt  }
0x49: {  	_ =	shalt  }
0x4a: {  	_ =	shalt  }
0x4b: {  	_ =	shalt  }
0x4c: {  	_ =	shalt  }
0x4d: {  	_ =	shalt  }
0x4e: {  	_ =	shalt  }
0x4f: {  	_ =	shalt  }
0x50: {  	_ =	shalt  }
0x51: {  	_ =	shalt  }
0x52: {  	_ =	shalt  }
0x53: {  	_ =	shalt  }
0x54: {  	_ =	shalt  }
0x55: {  	_ =	shalt  }
0x56: {  	_ =	shalt  }
0x57: {  	_ =	shalt  }
0x58: {  	_ =	shalt  }
0x59: {  	_ =	shalt  }
0x5a: {  	_ =	shalt  }
0x5b: {  	_ =	shalt  }
0x5c: {  	_ =	shalt  }
0x5d: {  	_ =	shalt  }
0x5e: {  	_ =	shalt  }
0x5f: {  	_ =	shalt  }
0x60: {  	_ =	shalt  }
0x61: {  	_ =	shalt  }
0x62: {  	_ =	shalt  }
0x63: {  	_ =	shalt  }
0x64: {  	_ =	shalt  }
0x65: {  	_ =	shalt  }
0x66: {  	_ =	shalt  }
0x67: {  	_ =	shalt  }
0x68: {  	_ =	shalt  }
0x69: {  	_ =	shalt  }
0x6a: {  	_ =	shalt  }
0x6b: {  	_ =	shalt  }
0x6c: {  	_ =	shalt  }
0x6d: {  	_ =	shalt  }
0x6e: {  	_ =	shalt  }
0x6f: {  	_ =	shalt  }
0x70: {  	_ =	shalt  }
0x71: {  	_ =	shalt  }
0x72: {  	_ =	shalt  }
0x73: {  	_ =	shalt  }
0x74: {  	_ =	shalt  }
0x75: {  	_ =	shalt  }
0x76: {  	_ =	shalt  }
0x77: {  	_ =	shalt  }
0x78: {  	_ =	shalt  }
0x79: {  	_ =	shalt  }
0x7a: {  	_ =	shalt  }
0x7b: {  	_ =	shalt  }
0x7c: {  	_ =	shalt  }
0x7d: {  	_ =	shalt  }
0x7e: {  	_ =	shalt  }
0x7f: {  	_ =	shalt  }
0x80: {  	_ =	shalt  }
0x81: {  	_ =	shalt  }
0x82: {  	_ =	shalt  }
0x83: {  	_ =	shalt  }
0x84: {  	_ =	shalt  }
0x85: {  	_ =	shalt  }
0x86: {  	_ =	shalt  }
0x87: {  	_ =	shalt  }
.Lfunc_end0:
.L_simem_size_0:
called_computation_lowered:
.L_overlay_start_0:
0x88: {  	s2 =	sld [smem:$0x3FD9]  }
0x89: {  	s3 =	sld [smem:$0x3FFE];
	_ =	sdelay $0x1  }
0x8a: {  	s1 =	srdreg.scid  }
0x8b: {  	s0 =	sand.u32 $0x1, s1  }
0x8c: {  	s17 =	sshll.u32 s0, $0xA;
	s2 =	sadd.s32 s3, s2  }
0x8d: {  	s2 =	sadd.s32 s2, s17  }
0x8e: {  	[smem:$0x3FC6] =	sst s2  }
0x8f: {  	_ = 	snop  }
0x90: {  	s2 =	sld [smem:$0x3FC8]  }
0x91: {  	s18 =	sld [smem:$0x3FD0];
	(tm) =	ssettm $0x1  }
0x92: {  	s4 =	sld [smem:$0x3FFB];
	_ =	sdelay $0x3  }
0x93: {  	_ =	strace s4  }
0x94: {  	s4 =	sld [smem:$0x3FFC];
	_ =	sdelay $0x3  }
0x95: {  	_ =	strace s4  }
0x96: {  	s4 =	sld [smem:$0x3FFD];
	_ =	sdelay $0x3  }
0x97: {  	_ =	strace s4  }
0x98: {  	_ =	strace $0x8FFFFFFF  }
0x99: {  	s19 =	sld [smem:$0x3FDB];
	_ =	sdelay $0x1  }
0x9a: {  	s5 =	simm.s32 $_scs_section_size  }
0x9b: {  	s6 =	simm.s32 $_size__tile_overlayer_lowered;
	s7 =	simm.s32 $_tile_overlayer_lowered  }
0x9c: {  	s22 =	simm.s32 $0x1BFF;
	s21 =	sshll.u32 s7, $0x1;
	s4 =	sadd.s32 s5, s19  }
0x9d: {  	s8 =	simm.s32 $0x0;
	s20 =	sshll.u32 s6, $0x1;
	s6 =	sadd.s32 s21, s4  }
0x9e: {  	[timem:s8], [sflag:s22] =	dma.local [hbm:s6], s20  }
0x9f: {  	_ =	swait.ge [sflag:s22], s20  }
0xa0: {  	s5 =	ssub.s32 $0x0, s20;
	[sflag:s22] =	ssyncset.done $0x0  }
0xa1: {  	[sflag:s22] =	ssyncadd.s32 s5;
	_ =	sdelay $0x1  }
0xa2: {  	s23 =	simm.s32 $0x1B8B  }
0xa3: {  	_ =	swait.ge [sflag:s23], $0x1  }
0xa4: {  	[sflag:s23] =	ssyncset.done $0x0  }
0xa5: {  	s25 =	simm.s32 $0x1B8E;
	s24 =	sld [smem:$0x3FFE];
	[sflag:s23] =	ssyncadd.s32 $0xFFFFFFFF  }
0xa6: {  	s26 =	simm.s32 $execute0_lowered;
	[smem:$0x3FD2] =	sst s25  }
0xa7: {  	s6 =	sshll.u32 s26, $0x1;
	_ =	strace $0x80000046;
	[dreg:$0x1] =	wrdreg $0xFFFFFFFF  }
0xa8: {  	s28 =	simm.s32 $_size_execute0_lowered;
	s4 =	sadd.s32 s4, s6;
	[dreg:$0x0] =	wrdreg $0x0  }
0xa9: {  	s6 =	sshll.u32 s28, $0x1;
	[dreg:$0x2] =	wrdreg s4  }
0xaa: {  	[dreg:$0x3] =	wrdreg s6  }
0xab: {  	[dreg:$0x4] =	wrdreg $0xC0  }
0xac: {  	_ =	task [dreg:s8], $0x5FFFF  }
0xad: {  	[dreg:$0x1] =	wrdreg $0xFFFFFFFF  }
0xae: {  	[dreg:$0x0] =	wrdreg $0x60  }
0xaf: {  	[dreg:$0x2] =	wrdreg s2  }
0xb0: {  	[dreg:$0x3] =	wrdreg s18  }
0xb1: {  	[dreg:$0x4] =	wrdreg s24  }
0xb2: {  	[dreg:$0x5] =	wrdreg $0x9  }
0xb3: {  	_ =	task.clear_ibuf [dreg:s8], $0x6FFFF;
	_ =	strace $0x90000046  }
0xb4: {  	s29 =	simm.s32 $0x9;
	_ =	strace $0x80000048  }
0xb5: {  	_ =	swait.ge [sflag:s29], $0x1  }
0xb6: {  	[sflag:s29] =	ssyncadd.s32 $0xFFFFFFFF  }
0xb7: {  	_ =	strace $0x90000048  }
0xb8: {  	_ =	sfence  }
0xb9: {  	s30 =	sld [smem:$0x0];
	_ =	sdelay $0x2  }
0xba: {  	s31 =	sshll.u32 s1, $0xD;
	s1 =	sshrl.u32 s1, $0x2  }
0xbb: {  	s3 =	sand.u32 $0x4000, s31;
	s1 =	sadd.s32 s1, s30  }
0xbc: {  	s0 =	sor.u32 s3, s0;
	s1 =	sshll.u32 s1, $0x11  }
0xbd: {  	s0 =	sor.u32 s1, s0  }
0xbe: {  	s0 =	sadd.s32 $0x8F2B, s0  }
0xbf: {  	[sflag:s0] =	ssyncadd.remote.s32 $0x1  }
0xc0: {  	_ =	sfence.sel $0xFFFF  }
0xc1: {  	[dreg:$0x0] =	wrdreg $0xFFFFFFFF;
	(pc) =	sbr.abs _section_cstart, $3  }
0xc2: {  	[dreg:$0x1] =	wrdreg $0xFFFFFFFF  }
0xc3: {  	_ =	task.clear_ibuf [dreg:s8], $0x2FFFF;
	_ =	strace $0x9FFFFFFF  }
0xc4: {  	(tm) =	ssettm $0x7FFFFFFF  }
0xc5: {  	_ =	shalt  }
tec
execute0_lowered:
.L_overlay_start_1:
0x0: {  	(tag) =	ssettag $0x1  }
0x1: {  	s1 =	rddreg [dreg:$0x0]  }
0x2: {  	s0 =	rddreg [dreg:$0x1]  }
0x3: {  	s2 =	rddreg [dreg:$0x2];
	s3 =	srdreg.scid  }
0x4: {  	s9 =	stileid.u32;
	s12 =	simm.s32 $0x9;
	s13 =	simm.s32 $0x32  }
0x5: {  	s14 =	simm.s32 $0x4000;
	s16 =	simm.s32 $0x5C00;
	s18 =	simm.s32 $0x7800  }
0x6: {  	s20 =	simm.s32 $0x9400;
	s21 =	simm.s32 $0x1;
	s22 =	simm.s32 $0x2  }
0x7: {  	s23 =	simm.s32 $0x5;
	s25 =	simm.s32 $0x3;
	s29 =	simm.s32 $0x4  }
0x8: {  	s30 =	simm.s32 $0x7;
	s5 =	sand.u32 $0x1, s3;
	s3 =	simm.s32 $0x0  }
0x9: {  	s4 =	sshll.u32 s9, $0x8;
	s2 =	sadd.s32 $0x400, s2;
	s9 =	smul.u32 $0x38000, s9  }
0xa: {  	s6 =	sshll.u32 s5, $0x7;
	[smem:$0x7FF] =	sst s3;
	s7 =	ssub.s32 $0x2, s5  }
0xb: {  	s10 =	smul.u32 $0x1C000, s5;
	s4 =	sor.u32 s6, s4;
	_ =	strace $0x80000047  }
0xc: {  	s26 =	sshrl.u32 s7, $0x1;
	s31 =	sadd.s32 s9, s2;
	s8 =	smul.u32 $0x380, s4  }
.Ltmp0:
0xd: {  	s7 =	ssub.s32 s7, s26;
	s28 =	sshll.u32 s4, $0x4;
	(pc) =	sbr.rel .LBB2_1-.Ltmp0, $4  }
0xe: {  	s26 =	simm.s32 $0x6;
	s5 =	sadd.s32 s0, s28;
	s0 =	sadd.s32 s10, s31  }
0xf: {  	s7 =	smax.u32 s7, $0x1;
	s4 =	sadd.s32 s2, s8;
	s15 =	sadd.s32 $0xE00, s0  }
0x10: {  	s0 =	simm.s32 $0x8;
	s2 =	simm.s32 $0x0;
	s6 =	sadd.s32 $0x1BC80, s4  }
0x11: {  	s8 =	sadd.s32 $0x380, s4;
	s9 =	sadd.s32 $0x700, s4;
	s10 =	sadd.s32 $0xA80, s4  }
.LBB2_4:
0x12: {  	_ =	swait.ge [sflag:s29], $0x1900  }
0x13: {  	[sflag:s29] =	ssyncset.done $0x0  }
0x14: {  	[sflag:s29] =	ssyncadd.s32 $0xFFFFE700  }
0x15: {  	[hbm4b:s6+s3] =	stream.linear.scatter [tilespmem:s20], [sflag:$0x8], $0x1900, $0x38;
	[tilespmem:$0xB000] =	vst v63  }
0x16: {  	_ =	swait.ge [sflag:s23], $0x1900  }
0x17: {  	[sflag:s23] =	ssyncset.done $0x0  }
0x18: {  	[sflag:s23] =	ssyncadd.s32 $0xFFFFE700  }
0x19: {  	_ =	swait.ge [sflag:s26], $0x1900  }
0x1a: {  	[sflag:s26] =	ssyncset.done $0x0  }
0x1b: {  	s2 =	sadd.s32 $0x1, s2;
	[sflag:s26] =	ssyncadd.s32 $0xFFFFE700  }
0x1c: {  	p0 =	sne.s32 s2, s7;
	_ =	swait.ge [sflag:s30], $0x1900  }
.Ltmp1:
0x1d: {  	[sflag:s30] =	ssyncset.done $0x0;
	(pc) =	sbr.rel @!p0 .LBB2_5-.Ltmp1, $4  }
0x1e: {  	[sflag:s30] =	ssyncadd.s32 $0xFFFFE700  }
0x1f: {  	_ =	swait.ge [sflag:s0], $0x1900  }
0x20: {  	[sflag:s0] =	ssyncset.done $0x0  }
0x21: {  	[sflag:s0] =	ssyncadd.s32 $0xFFFFE700  }
.LBB2_1:
0x22: {  	[tilespmem:s3], [sflag:$0x9] =	stream.linear.gather [hbm4b:s5+s3], $0x4000, $0x38;
	[tilespmem:$0xB000] =	vst v63  }
0x23: {  	_ =	swait.ge [sflag:s12], $0x4000  }
0x24: {  	[sflag:s12] =	ssyncset.done $0x0  }
0x25: {  	[sflag:s12] =	ssyncadd.s32 $0xFFFFC000  }
0x26: {  	[tilespmem:s14], [sflag:$0x1] =	stream.indirect.gather [hbm4b:s1+s13], $0x80, s3, s13, $0xb8;
	[tilespmem:$0xB000] =	vst v63  }
0x27: {  	s11 =	simm.s32 $0x80  }
0x28: {  	[tilespmem:s16], [sflag:$0x2] =	stream.indirect.gather [hbm4b:s1+s13], $0x80, s11, s13, $0xb8;
	[tilespmem:$0xB000] =	vst v63  }
0x29: {  	s17 =	simm.s32 $0x100  }
0x2a: {  	[tilespmem:s18], [sflag:$0x3] =	stream.indirect.gather [hbm4b:s1+s13], $0x80, s17, s13, $0xb8;
	[tilespmem:$0xB000] =	vst v63  }
0x2b: {  	s19 =	simm.s32 $0x180  }
0x2c: {  	[tilespmem:s20], [sflag:$0x4] =	stream.indirect.gather [hbm4b:s1+s13], $0x80, s19, s13, $0xb8;
	[tilespmem:$0xB000] =	vst v63  }
0x2d: {  	_ =	swait.ge [sflag:s21], $0x1900  }
0x2e: {  	[sflag:s21] =	ssyncset.done $0x0  }
0x2f: {  	[sflag:s21] =	ssyncadd.s32 $0xFFFFE700  }
0x30: {  	[hbm4b:s4+s3] =	stream.linear.scatter [tilespmem:s14], [sflag:$0x5], $0x1900, $0x38;
	[tilespmem:$0xB000] =	vst v63  }
0x31: {  	_ =	swait.ge [sflag:s22], $0x1900  }
0x32: {  	[sflag:s22] =	ssyncset.done $0x0  }
0x33: {  	[sflag:s22] =	ssyncadd.s32 $0xFFFFE700  }
0x34: {  	[hbm4b:s8+s3] =	stream.linear.scatter [tilespmem:s16], [sflag:$0x6], $0x1900, $0x38;
	[tilespmem:$0xB000] =	vst v63  }
0x35: {  	_ =	swait.ge [sflag:s23], $0x1900  }
0x36: {  	[sflag:s23] =	ssyncset.done $0x0  }
0x37: {  	s24 =	simm.s32 $0x200;
	[sflag:s23] =	ssyncadd.s32 $0xFFFFE700  }
0x38: {  	[tilespmem:s14], [sflag:$0x1] =	stream.indirect.gather [hbm4b:s1+s13], $0x80, s24, s13, $0xb8;
	[tilespmem:$0xB000] =	vst v63  }
0x39: {  	_ =	swait.ge [sflag:s25], $0x1900  }
0x3a: {  	[sflag:s25] =	ssyncset.done $0x0  }
0x3b: {  	[sflag:s25] =	ssyncadd.s32 $0xFFFFE700  }
0x3c: {  	[hbm4b:s9+s3] =	stream.linear.scatter [tilespmem:s18], [sflag:$0x7], $0x1900, $0x38;
	[tilespmem:$0xB000] =	vst v63  }
0x3d: {  	_ =	swait.ge [sflag:s26], $0x1900  }
0x3e: {  	[sflag:s26] =	ssyncset.done $0x0  }
0x3f: {  	s28 =	simm.s32 $0x280;
	[sflag:s26] =	ssyncadd.s32 $0xFFFFE700  }
0x40: {  	[tilespmem:s16], [sflag:$0x2] =	stream.indirect.gather [hbm4b:s1+s13], $0x80, s28, s13, $0xb8;
	[tilespmem:$0xB000] =	vst v63  }
0x41: {  	_ =	swait.ge [sflag:s29], $0x1900  }
0x42: {  	[sflag:s29] =	ssyncset.done $0x0  }
0x43: {  	[sflag:s29] =	ssyncadd.s32 $0xFFFFE700  }
0x44: {  	[hbm4b:s10+s3] =	stream.linear.scatter [tilespmem:s20], [sflag:$0x8], $0x1900, $0x38;
	[tilespmem:$0xB000] =	vst v63  }
0x45: {  	_ =	swait.ge [sflag:s30], $0x1900  }
0x46: {  	s31 =	simm.s32 $0x300;
	[sflag:s30] =	ssyncset.done $0x0  }
0x47: {  	s11 =	smov.u32 s15;
	s17 =	simm.s32 $0x0;
	[sflag:s30] =	ssyncadd.s32 $0xFFFFE700  }
0x48: {  	[tilespmem:s18], [sflag:$0x3] =	stream.indirect.gather [hbm4b:s1+s13], $0x80, s31, s13, $0xb8;
	[tilespmem:$0xB000] =	vst v63  }
.LBB2_2:
0x49: {  	_ =	swait.ge [sflag:s21], $0x1900  }
0x4a: {  	[sflag:s21] =	ssyncset.done $0x0  }
0x4b: {  	[sflag:s21] =	ssyncadd.s32 $0xFFFFE700  }
0x4c: {  	[hbm4b:s11+s3] =	stream.linear.scatter [tilespmem:s14], [sflag:$0x5], $0x1900, $0x38;
	[tilespmem:$0xB000] =	vst v63  }
0x4d: {  	_ =	swait.ge [sflag:s0], $0x1900  }
0x4e: {  	s19 =	sshra.s32 s17, $0x2;
	[sflag:s0] =	ssyncset.done $0x0  }
0x4f: {  	s24 =	sadd.s32 $0x380, s19;
	[sflag:s0] =	ssyncadd.s32 $0xFFFFE700  }
0x50: {  	[tilespmem:s20], [sflag:$0x4] =	stream.indirect.gather [hbm4b:s1+s13], $0x80, s24, s13, $0xb8;
	[tilespmem:$0xB000] =	vst v63  }
0x51: {  	_ =	swait.ge [sflag:s22], $0x1900  }
0x52: {  	p0 =	seq.s32 s17, $0xF000;
	[sflag:s22] =	ssyncset.done $0x0  }
0x53: {  	s28 =	sadd.s32 $0x380, s11;
	s24 =	simm.s32 @!p0 $0x5;
	[sflag:s22] =	ssyncadd.s32 $0xFFFFE700  }
0x54: {  	[hbm4b:s28+s3] =	stream.linear.scatter [tilespmem:s16], [sflag:$0x6], $0x1900, $0x38;
	[tilespmem:$0xB000] =	vst v63  }
0x55: {  	_ =	swait.ge @!p0 [sflag:s24], $0x1900  }
0x56: {  	[sflag:s24] =	ssyncset.done @!p0 $0x0  }
0x57: {  	[sflag:s24] =	ssyncadd.s32 @!p0 $0xFFFFE700;
	s24 =	sshra.s32 @!p0 s17, $0x2  }
0x58: {  	s31 =	simm.s32 @!p0 $0x4000;
	s28 =	simm.s32 @!p0 $0x32;
	s24 =	sadd.s32 @!p0 $0x400, s24  }
0x59: {  	[tilespmem:s31], [sflag:$0x1] =	stream.indirect.gather @!p0 [hbm4b:s1+s28], $0x80, s24, s28, $0xb8;
	[tilespmem:$0xB000] =	vst v63  }
.Ltmp2:
0x5a: {  	_ = 	snop;
	(pc) =	sbr.rel @p0 .LBB2_4-.Ltmp2, $4  }
0x5b: {  	_ =	swait.ge [sflag:s25], $0x1900  }
0x5c: {  	[sflag:s25] =	ssyncset.done $0x0  }
0x5d: {  	s31 =	sadd.s32 $0x700, s11;
	[sflag:s25] =	ssyncadd.s32 $0xFFFFE700  }
0x5e: {  	[hbm4b:s31+s3] =	stream.linear.scatter [tilespmem:s18], [sflag:$0x7], $0x1900, $0x38;
	[tilespmem:$0xB000] =	vst v63  }
0x5f: {  	_ =	swait.ge [sflag:s26], $0x1900  }
0x60: {  	[sflag:s26] =	ssyncset.done $0x0  }
0x61: {  	s24 =	sadd.s32 $0x480, s19;
	[sflag:s26] =	ssyncadd.s32 $0xFFFFE700  }
0x62: {  	[tilespmem:s16], [sflag:$0x2] =	stream.indirect.gather [hbm4b:s1+s13], $0x80, s24, s13, $0xb8;
	[tilespmem:$0xB000] =	vst v63  }
0x63: {  	_ =	swait.ge [sflag:s29], $0x1900  }
0x64: {  	[sflag:s29] =	ssyncset.done $0x0  }
0x65: {  	s28 =	sadd.s32 $0xA80, s11;
	[sflag:s29] =	ssyncadd.s32 $0xFFFFE700  }
0x66: {  	[hbm4b:s28+s3] =	stream.linear.scatter [tilespmem:s20], [sflag:$0x8], $0x1900, $0x38;
	[tilespmem:$0xB000] =	vst v63  }
.Ltmp3:
0x67: {  	_ = 	snop;
	(pc) =	sbr.rel .LBB2_2-.Ltmp3, $4  }
0x68: {  	_ =	swait.ge [sflag:s30], $0x1900  }
0x69: {  	s31 =	sadd.s32 $0x500, s19;
	[sflag:s30] =	ssyncset.done $0x0  }
0x6a: {  	s17 =	sadd.s32 $0x800, s17;
	s11 =	sadd.s32 $0xE00, s11;
	[sflag:s30] =	ssyncadd.s32 $0xFFFFE700  }
0x6b: {  	[tilespmem:s18], [sflag:$0x3] =	stream.indirect.gather [hbm4b:s1+s13], $0x80, s31, s13, $0xb8;
	[tilespmem:$0xB000] =	vst v63  }
.LBB2_5:
0x6c: {  	_ =	sfence.sel $0x180000  }
0x6d: {  	[bflag:$0x0] =	sbarrier.arrive $0xFFFF  }
0x6e: {  	_ =	strace $0x90000047  }
0x6f: {  	s0 =	stileid.u32;
	[bflag:$0x2] =	sbarrier.arrive $0xFFFF  }
0x70: {  	p0 =	sne.s32 s0, $0x0;
	s0 =	rddreg [dreg:$0x3]  }
0x71: {  	s0 =	sadd.s32 @!p0 $0x100000, s0  }
0x72: {  	[sflag:s0] =	ssyncadd.tile.s32 @!p0 $0x1;
	_ =	shalt  }
.Lfunc_end2:
_tile_overlayer_lowered:
.L_overlay_start_2:
0x73: {  	(tag) =	ssettag $0x2  }
0x74: {  	s0 =	rddreg [dreg:$0x0];
	s2 =	stileid.u32  }
0x75: {  	s1 =	rddreg [dreg:$0x1];
	p0 =	sne.s32 s2, $0x0  }
0x76: {  	s3 =	rddreg [dreg:$0x2];
	[bflag:$0x3] =	sbarrier.arrive $0xFFFF;
	s2 =	simm.s32 @!p0 $0x1C09  }
0x77: {  	[timem:s3], [sflag:s2] =	dma.local @!p0 [hbm:s0], s1  }
0x78: {  	s0 =	simm.s32 @!p0 $0x9  }
0x79: {  	_ =	swait.ge @!p0 [sflag:s0], s1  }
0x7a: {  	s1 =	ssub.s32 @!p0 $0x0, s1;
	[sflag:s0] =	ssyncset.done @!p0 $0x0  }
0x7b: {  	[sflag:s0] =	ssyncadd.s32 @!p0 s1  }
0x7c: {  	[bflag:$0x3] =	sbarrier.arrive $0xFFFF  }
0x7d: {  	_ =	shalt  }

</sc_bundles>
